<compile_context>
chip_gen: v7x
topology: tpu7x:2x2x1
jax: 0.10.2.dev20260603
libtpu: 0.0.44.dev20260713+nightly
codegen_flags: <defaults>
</compile_context>

<pallas_src>
import functools

import jax
import jax.numpy as jnp
import numpy as np
from jax import lax
from jax.experimental import pallas as pl
from jax.experimental.pallas import tpu as pltpu
from jax.experimental.pallas import tpu_sc as plsc

_TOTAL = 1048576 * 3 * 5
_NC = 2
_NS = 16
_NW = _NC * _NS
_PER_W = _TOTAL // _NW
_CHUNK = 40960
_ITERS = _PER_W // _CHUNK

_MASKS = np.array(
    [[1.0 if (p + l) % 5 < 3 else 0.0 for l in range(16)] for p in range(5)],
    dtype=np.float32,
).reshape(80)

_mesh = plsc.VectorSubcoreMesh(core_axis_name="c", subcore_axis_name="s")


@functools.partial(
    pl.kernel,
    mesh=_mesh,
    out_type=jax.ShapeDtypeStruct((_TOTAL,), jnp.float32),
    scratch_types=[
        pltpu.VMEM((_CHUNK,), jnp.float32),
        pltpu.VMEM((80,), jnp.float32),
    ],
)
def _sc_add(x_hbm, mask_hbm, out_hbm, buf, mbuf):
    wid = lax.axis_index("s") * _NC + lax.axis_index("c")
    base = wid * _PER_W
    pltpu.sync_copy(mask_hbm, mbuf)

    def outer(it, carry):
        off = base + it * _CHUNK
        pltpu.sync_copy(x_hbm.at[pl.ds(off, _CHUNK)], buf)

        def inner(g, c2):
            o = g * 80
            for p in range(5):
                sl = pl.ds(o + p * 16, 16)
                buf[sl] = buf[sl] + mbuf[pl.ds(p * 16, 16)]
            return c2

        lax.fori_loop(0, _CHUNK // 80, inner, 0)
        pltpu.sync_copy(buf, out_hbm.at[pl.ds(off, _CHUNK)])
        return carry

    lax.fori_loop(0, _ITERS, outer, 0)


def kernel(x):
    xf = x.reshape(_TOTAL)
    masks = jnp.asarray(_MASKS)
    return _sc_add(xf, masks).reshape(x.shape)

# --- scband reference (transcript-rebuilt; emitter-appended) ---
"""Pipeline reference for scband-scatter-model-24747601559648 (READ-ONLY COPY).

The authoritative reference and input builder live on the scoring server;
editing this copy changes nothing except your own understanding.
"""

import jax, jax.numpy as jnp
import numpy as np


def setup_inputs(seed: int = 0) -> dict:
    key = jax.random.key(seed)
    x = jax.random.normal(key, (1048576, 3, 5), dtype=jnp.float32)
    return {"x": x}


def reference(x):
    # Faithful translation of torch scatter_(dim=1, index, src) on a fixed 3x5 buffer.
    src = jnp.ones((3, 5), dtype=jnp.float32)
    index = jnp.array([[0, 1, 2, 0, 0], [2, 0, 0, 1, 2], [0, 0, 1, 2, 0]], dtype=jnp.int32)
    rows = jnp.arange(3, dtype=jnp.int32)[:, None]
    # out[i, index[i, j]] = src[i, j]  (scatter-overwrite along dim=1)
    out = jnp.zeros((3, 5), dtype=jnp.float32).at[rows, index].set(src)
    return x + out

if __name__ == "__main__":
    import jax
    _d = setup_inputs()
    print(jax.jit(kernel)(*tuple(_d.values())))

</pallas_src>

<mosaic_0001>
#map = affine_map<(d0, d1) -> (0)>
module attributes {stable_mosaic.version = 14 : i64} {
  func.func @_sc_add(%arg0: i32, %arg1: i32, %arg2: memref<15728640xf32, #tpu.memory_space<hbm>>, %arg3: memref<80xf32, #tpu.memory_space<hbm>>, %arg4: memref<15728640xf32, #tpu.memory_space<hbm>>, %arg5: memref<40960xf32, #tpu.memory_space<vmem>>, %arg6: memref<80xf32, #tpu.memory_space<vmem>>) attributes {dimension_semantics = [#tpu.dimension_semantics<core_parallel>, #tpu.dimension_semantics<subcore_parallel>], iteration_bounds = array<i64: 2, 16>, scalar_prefetch = 0 : i64, scratch_operands = 2 : i64, tpu.core_type = #tpu.core_type<sc_vector_subcore>, window_params = [{transform_indices = #map}, {transform_indices = #map}, {transform_indices = #map}]} {
    %mul3A = arith.constant 2 : i32
    %mul3A_0 = arith.muli %arg1, %mul3A : i32
    %add3A = arith.addi %mul3A_0, %arg0 : i32
    %mul3A_1 = arith.constant 491520 : i32
    %mul3A_2 = arith.muli %add3A, %mul3A_1 : i32
    "tpu.region"() ({
      %run_scoped3A = tpu.sem_alloc : memref<!tpu.dma_semaphore, #tpu.memory_space<semaphore_mem>>
      tpu.enqueue_dma source(%arg3 : memref<80xf32, #tpu.memory_space<hbm>>) target(%arg6 : memref<80xf32, #tpu.memory_space<vmem>>) target_semaphore(%run_scoped3A : memref<!tpu.dma_semaphore, #tpu.memory_space<semaphore_mem>>)
      tpu.wait_dma2 semaphore(%run_scoped3A : memref<!tpu.dma_semaphore, #tpu.memory_space<semaphore_mem>>) src(%arg3 : memref<80xf32, #tpu.memory_space<hbm>>) dst(%arg6 : memref<80xf32, #tpu.memory_space<vmem>>)
      tpu.yield
    }) : () -> ()
    %scan3A = arith.constant 0 : i32
    %scan3A_3 = arith.constant 0 : i32
    %scan3A_4 = arith.constant 12 : i32
    %scan3A_5 = arith.addi %scan3A_3, %scan3A_4 : i32
    %scan3A_6 = arith.constant 1 : i32
    scf.for %scan3A_8 = %scan3A_3 to %scan3A_5 step %scan3A_6  : i32 {
      %mul3A_9 = arith.constant 40960 : i32
      %mul3A_10 = arith.muli %scan3A_8, %mul3A_9 : i32
      %add3A_11 = arith.addi %mul3A_2, %mul3A_10 : i32
      "tpu.region"() ({
        %run_scoped3A = tpu.sem_alloc : memref<!tpu.dma_semaphore, #tpu.memory_space<semaphore_mem>>
        %dma_start3A = tpu.memref_slice %arg2[%add3A_11] : memref<15728640xf32, #tpu.memory_space<hbm>> -> memref<40960xf32, #tpu.memory_space<hbm>>
        %dma_start3A_18 = tpu.memref_slice %arg2[%add3A_11] : memref<15728640xf32, #tpu.memory_space<hbm>> -> memref<40960xf32, #tpu.memory_space<hbm>>
        tpu.enqueue_dma source(%dma_start3A_18 : memref<40960xf32, #tpu.memory_space<hbm>>) target(%arg5 : memref<40960xf32, #tpu.memory_space<vmem>>) target_semaphore(%run_scoped3A : memref<!tpu.dma_semaphore, #tpu.memory_space<semaphore_mem>>)
        %dma_wait3A = tpu.memref_slice %arg2[%add3A_11] : memref<15728640xf32, #tpu.memory_space<hbm>> -> memref<40960xf32, #tpu.memory_space<hbm>>
        %dma_wait3A_19 = tpu.memref_slice %arg2[%add3A_11] : memref<15728640xf32, #tpu.memory_space<hbm>> -> memref<40960xf32, #tpu.memory_space<hbm>>
        tpu.wait_dma2 semaphore(%run_scoped3A : memref<!tpu.dma_semaphore, #tpu.memory_space<semaphore_mem>>) src(%dma_wait3A_19 : memref<40960xf32, #tpu.memory_space<hbm>>) dst(%arg5 : memref<40960xf32, #tpu.memory_space<vmem>>)
        tpu.yield
      }) : () -> ()
      %scan3A_12 = arith.constant 0 : i32
      %scan3A_13 = arith.constant 0 : i32
      %scan3A_14 = arith.constant 512 : i32
      %scan3A_15 = arith.addi %scan3A_13, %scan3A_14 : i32
      %scan3A_16 = arith.constant 1 : i32
      scf.for %scan3A_18 = %scan3A_13 to %scan3A_15 step %scan3A_16  : i32 {
        %mul3A_19 = arith.constant 80 : i32
        %mul3A_20 = arith.muli %scan3A_18, %mul3A_19 : i32
        %add3A_21 = arith.constant 0 : i32
        %add3A_22 = arith.addi %mul3A_20, %add3A_21 : i32
        %get3A = arith.index_cast %add3A_22 : i32 to index
        %get3A_23 = tpu.vector_load %arg5[%get3A] {strides = array<i32>} : memref<40960xf32, #tpu.memory_space<vmem>>, vector<16xf32>,
        %get3A_24 = vector.shape_cast %get3A_23 : vector<16xf32> to vector<16xf32>
        %get3A_25 = arith.constant 0 : index
        %get3A_26 = tpu.vector_load %arg6[%get3A_25] {strides = array<i32>} : memref<80xf32, #tpu.memory_space<vmem>>, vector<16xf32>,
        %get3A_27 = vector.shape_cast %get3A_26 : vector<16xf32> to vector<16xf32>
        %add3A_28 = arith.addf %get3A_24, %get3A_27 : vector<16xf32>
        %swap3A = arith.index_cast %add3A_22 : i32 to index
        %swap3A_29 = tpu.vector_load %arg5[%swap3A] {strides = array<i32>} : memref<40960xf32, #tpu.memory_space<vmem>>, vector<16xf32>,
        %swap3A_30 = vector.shape_cast %swap3A_29 : vector<16xf32> to vector<16xf32>
        %swap3A_31 = vector.shape_cast %add3A_28 : vector<16xf32> to vector<16xf32>
        tpu.vector_store %arg5[%swap3A], %swap3A_31 {strides = array<i32>} : memref<40960xf32, #tpu.memory_space<vmem>>, vector<16xf32>,
        %add3A_32 = arith.constant 16 : i32
        %add3A_33 = arith.addi %mul3A_20, %add3A_32 : i32
        %get3A_34 = arith.index_cast %add3A_33 : i32 to index
        %get3A_35 = tpu.vector_load %arg5[%get3A_34] {strides = array<i32>} : memref<40960xf32, #tpu.memory_space<vmem>>, vector<16xf32>,
        %get3A_36 = vector.shape_cast %get3A_35 : vector<16xf32> to vector<16xf32>
        %get3A_37 = arith.constant 16 : index
        %get3A_38 = tpu.vector_load %arg6[%get3A_37] {strides = array<i32>} : memref<80xf32, #tpu.memory_space<vmem>>, vector<16xf32>,
        %get3A_39 = vector.shape_cast %get3A_38 : vector<16xf32> to vector<16xf32>
        %add3A_40 = arith.addf %get3A_36, %get3A_39 : vector<16xf32>
        %swap3A_41 = arith.index_cast %add3A_33 : i32 to index
        %swap3A_42 = tpu.vector_load %arg5[%swap3A_41] {strides = array<i32>} : memref<40960xf32, #tpu.memory_space<vmem>>, vector<16xf32>,
        %swap3A_43 = vector.shape_cast %swap3A_42 : vector<16xf32> to vector<16xf32>
        %swap3A_44 = vector.shape_cast %add3A_40 : vector<16xf32> to vector<16xf32>
        tpu.vector_store %arg5[%swap3A_41], %swap3A_44 {strides = array<i32>} : memref<40960xf32, #tpu.memory_space<vmem>>, vector<16xf32>,
        %add3A_45 = arith.constant 32 : i32
        %add3A_46 = arith.addi %mul3A_20, %add3A_45 : i32
        %get3A_47 = arith.index_cast %add3A_46 : i32 to index
        %get3A_48 = tpu.vector_load %arg5[%get3A_47] {strides = array<i32>} : memref<40960xf32, #tpu.memory_space<vmem>>, vector<16xf32>,
        %get3A_49 = vector.shape_cast %get3A_48 : vector<16xf32> to vector<16xf32>
        %get3A_50 = arith.constant 32 : index
        %get3A_51 = tpu.vector_load %arg6[%get3A_50] {strides = array<i32>} : memref<80xf32, #tpu.memory_space<vmem>>, vector<16xf32>,
        %get3A_52 = vector.shape_cast %get3A_51 : vector<16xf32> to vector<16xf32>
        %add3A_53 = arith.addf %get3A_49, %get3A_52 : vector<16xf32>
        %swap3A_54 = arith.index_cast %add3A_46 : i32 to index
        %swap3A_55 = tpu.vector_load %arg5[%swap3A_54] {strides = array<i32>} : memref<40960xf32, #tpu.memory_space<vmem>>, vector<16xf32>,
        %swap3A_56 = vector.shape_cast %swap3A_55 : vector<16xf32> to vector<16xf32>
        %swap3A_57 = vector.shape_cast %add3A_53 : vector<16xf32> to vector<16xf32>
        tpu.vector_store %arg5[%swap3A_54], %swap3A_57 {strides = array<i32>} : memref<40960xf32, #tpu.memory_space<vmem>>, vector<16xf32>,
        %add3A_58 = arith.constant 48 : i32
        %add3A_59 = arith.addi %mul3A_20, %add3A_58 : i32
        %get3A_60 = arith.index_cast %add3A_59 : i32 to index
        %get3A_61 = tpu.vector_load %arg5[%get3A_60] {strides = array<i32>} : memref<40960xf32, #tpu.memory_space<vmem>>, vector<16xf32>,
        %get3A_62 = vector.shape_cast %get3A_61 : vector<16xf32> to vector<16xf32>
        %get3A_63 = arith.constant 48 : index
        %get3A_64 = tpu.vector_load %arg6[%get3A_63] {strides = array<i32>} : memref<80xf32, #tpu.memory_space<vmem>>, vector<16xf32>,
        %get3A_65 = vector.shape_cast %get3A_64 : vector<16xf32> to vector<16xf32>
        %add3A_66 = arith.addf %get3A_62, %get3A_65 : vector<16xf32>
        %swap3A_67 = arith.index_cast %add3A_59 : i32 to index
        %swap3A_68 = tpu.vector_load %arg5[%swap3A_67] {strides = array<i32>} : memref<40960xf32, #tpu.memory_space<vmem>>, vector<16xf32>,
        %swap3A_69 = vector.shape_cast %swap3A_68 : vector<16xf32> to vector<16xf32>
        %swap3A_70 = vector.shape_cast %add3A_66 : vector<16xf32> to vector<16xf32>
        tpu.vector_store %arg5[%swap3A_67], %swap3A_70 {strides = array<i32>} : memref<40960xf32, #tpu.memory_space<vmem>>, vector<16xf32>,
        %add3A_71 = arith.constant 64 : i32
        %add3A_72 = arith.addi %mul3A_20, %add3A_71 : i32
        %get3A_73 = arith.index_cast %add3A_72 : i32 to index
        %get3A_74 = tpu.vector_load %arg5[%get3A_73] {strides = array<i32>} : memref<40960xf32, #tpu.memory_space<vmem>>, vector<16xf32>,
        %get3A_75 = vector.shape_cast %get3A_74 : vector<16xf32> to vector<16xf32>
        %get3A_76 = arith.constant 64 : index
        %get3A_77 = tpu.vector_load %arg6[%get3A_76] {strides = array<i32>} : memref<80xf32, #tpu.memory_space<vmem>>, vector<16xf32>,
        %get3A_78 = vector.shape_cast %get3A_77 : vector<16xf32> to vector<16xf32>
        %add3A_79 = arith.addf %get3A_75, %get3A_78 : vector<16xf32>
        %swap3A_80 = arith.index_cast %add3A_72 : i32 to index
        %swap3A_81 = tpu.vector_load %arg5[%swap3A_80] {strides = array<i32>} : memref<40960xf32, #tpu.memory_space<vmem>>, vector<16xf32>,
        %swap3A_82 = vector.shape_cast %swap3A_81 : vector<16xf32> to vector<16xf32>
        %swap3A_83 = vector.shape_cast %add3A_79 : vector<16xf32> to vector<16xf32>
        tpu.vector_store %arg5[%swap3A_80], %swap3A_83 {strides = array<i32>} : memref<40960xf32, #tpu.memory_space<vmem>>, vector<16xf32>,
      }
      %scan3A_17 = arith.constant 512 : i32
      "tpu.region"() ({
        %run_scoped3A = tpu.sem_alloc : memref<!tpu.dma_semaphore, #tpu.memory_space<semaphore_mem>>
        %dma_start3A = tpu.memref_slice %arg4[%add3A_11] : memref<15728640xf32, #tpu.memory_space<hbm>> -> memref<40960xf32, #tpu.memory_space<hbm>>
        %dma_start3A_18 = tpu.memref_slice %arg4[%add3A_11] : memref<15728640xf32, #tpu.memory_space<hbm>> -> memref<40960xf32, #tpu.memory_space<hbm>>
        tpu.enqueue_dma source(%arg5 : memref<40960xf32, #tpu.memory_space<vmem>>) target(%dma_start3A_18 : memref<40960xf32, #tpu.memory_space<hbm>>) target_semaphore(%run_scoped3A : memref<!tpu.dma_semaphore, #tpu.memory_space<semaphore_mem>>)
        %dma_wait3A = tpu.memref_slice %arg4[%add3A_11] : memref<15728640xf32, #tpu.memory_space<hbm>> -> memref<40960xf32, #tpu.memory_space<hbm>>
        %dma_wait3A_19 = tpu.memref_slice %arg4[%add3A_11] : memref<15728640xf32, #tpu.memory_space<hbm>> -> memref<40960xf32, #tpu.memory_space<hbm>>
        tpu.wait_dma2 semaphore(%run_scoped3A : memref<!tpu.dma_semaphore, #tpu.memory_space<semaphore_mem>>) src(%arg5 : memref<40960xf32, #tpu.memory_space<vmem>>) dst(%dma_wait3A_19 : memref<40960xf32, #tpu.memory_space<hbm>>)
        tpu.yield
      }) : () -> ()
    }
    %scan3A_7 = arith.constant 12 : i32
    return
  }
}

</mosaic_0001>

<sc_bundles>
// kernel: kernel.3.cloned.1.call-start
scs
__scs_entry_jumppad:
0x0: {  	(pc) =	sbr.rel $0x88, $3  }
0x1: {  	(tag) =	ssettag $0x0;
	lr =	simm.s32 $0x1  }
0x2: {  	[smem:$0x3FA0] =	sst lr;
	_ =	strace $0xD0000000  }
0x3: {  	_ = 	snop  }
0x4: {  	_ = 	snop  }
0x5: {  	_ = 	snop  }
0x6: {  	_ = 	snop  }
0x7: {  	_ = 	snop  }
__scs_overlays_trampoline_lowered:
0x8: {  	[smem:$0x3FAF] =	sst s0  }
0x9: {  	[smem:$0x3FB0] =	sst s1  }
0xa: {  	[smem:$0x3FB1] =	sst s2  }
0xb: {  	[smem:$0x3FB2] =	sst s3  }
0xc: {  	[smem:$0x3FB3] =	sst s4  }
0xd: {  	[smem:$0x3FB4] =	sst s5  }
0xe: {  	[smem:$0x3FB5] =	sst s6  }
0xf: {  	[smem:$0x3FB6] =	sst s7  }
0x10: {  	[smem:$0x3FB7] =	sst s8  }
0x11: {  	[smem:$0x3FB8] =	sst s9;
	s0 =	simm.s32 @!p0 $0x0  }
0x12: {  	s1 =	sld [smem:$0x3F9E];
	s0 =	simm.s32 @p0 $0x1  }
0x13: {  	[smem:$0x3FB9] =	sst s0;
	s0 =	simm.s32 @!p1 $0x0  }
0x14: {  	s2 =	sld [smem:$0x3F9D];
	s0 =	simm.s32 @p1 $0x1  }
0x15: {  	[smem:$0x3FBA] =	sst s0;
	s0 =	simm.s32 @!p2 $0x0  }
0x16: {  	s3 =	sld [smem:$0x3FDB];
	s0 =	simm.s32 @p2 $0x1  }
0x17: {  	s4 =	simm.s32 $0x1BF5;
	[smem:$0x3FBC] =	sst s0  }
0x18: {  	s0 =	sld [smem:$0x3F9F];
	_ =	swait.ge [sflag:s4], $0x0  }
0x19: {  	s7 =	sld [smem:$0x3FA0]  }
0x1a: {  	s8 =	sadd.s32 $0xFFFFE003, lr  }
0x1b: {  	s9 =	sadd.s32 $0xFFFFFEF7, lr;
	s5 =	simm.s32 $0xFFFFFFFF;
	p2 =	slt.u32 s8, $0xFFFFF086  }
0x1c: {  	p1 =	slt.u32 s9, $0xF7A;
	s5 =	simm.s32 @!p2 $0x0  }
0x1d: {  	s5 =	simm.s32 @p1 $0x1;
	p0 =	seq.s32 s7, s2  }
0x1e: {  	s7 =	smul.u32 @!p0 $0xF7A, s2;
	p2 =	seq.s32 @!p0 s5, $0x0  }
0x1f: {  	s9 =	smul.u32 $0xF7A, s1;
	s8 =	simm.s32 @!p0 $0x1BF5;
	p2 =	por !p2, p0  }
0x20: {  	[sflag:s8] =	ssyncset.s32 @!p0 $0xFFFFF086;
	s6 =	sadd.s32 @!p0 s3, s7;
	s7 =	simm.s32 @!p0 $0x108  }
0x21: {  	s3 =	sadd.s32 s3, s9;
	s6 =	sadd.s32 @!p0 $0x88, s6;
	s7 =	simm.s32 @p2 $0x1082  }
0x22: {  	[simem:s7], [sflag:s8] =	dma.local @!p0 [hbm:s6], $0xF7A  }
0x23: {  	s9 =	sor.u32 $0xD0000000, s2;
	s6 =	simm.s32 $0x108;
	_ =	swait.ge @!p0 [sflag:s8], $0x0  }
0x24: {  	s3 =	sadd.s32 $0x88, s3;
	s6 =	simm.s32 @!p1 $0x1082;
	[sflag:s4] =	ssyncset.s32 $0xFFFFF086  }
0x25: {  	[simem:s6], [sflag:s4] =	dma.local [hbm:s3], $0xF7A  }
0x26: {  	[smem:$0x3FA0] =	sst s1;
	(tag) =	ssettag s2;
	_ =	strace s9  }
0x27: {  	s1 =	sld [smem:$0x3FB0]  }
0x28: {  	s2 =	sld [smem:$0x3FB1]  }
0x29: {  	s4 =	sld [smem:$0x3FB3]  }
0x2a: {  	p0 =	seq.s32 s5, $0x0;
	s5 =	sld [smem:$0x3FB4]  }
0x2b: {  	s6 =	sld [smem:$0x3FB5]  }
0x2c: {  	s7 =	sld [smem:$0x3FB6]  }
0x2d: {  	s3 =	simm.s32 $0x108;
	s8 =	sld [smem:$0x3FB7]  }
0x2e: {  	s3 =	simm.s32 @!p0 $0x1082;
	s9 =	sld [smem:$0x3FB8]  }
0x2f: {  	lr =	sadd.s32 s0, s3;
	s0 =	sld [smem:$0x3FAF]  }
0x30: {  	s3 =	sld [smem:$0x3FB2]  }
0x31: {  	[smem:$0x3FBB] =	sst s10  }
0x32: {  	s10 =	sld [smem:$0x3FB9];
	_ =	sdelay $0x3  }
0x33: {  	p0 =	seq.s32 s10, $0x1;
	s10 =	sld [smem:$0x3FBB];
	_ =	sdelay $0x3  }
0x34: {  	[smem:$0x3FBB] =	sst s10  }
0x35: {  	s10 =	sld [smem:$0x3FBA];
	_ =	sdelay $0x3  }
0x36: {  	p1 =	seq.s32 s10, $0x1;
	s10 =	sld [smem:$0x3FBB];
	_ =	sdelay $0x3  }
0x37: {  	[smem:$0x3FBB] =	sst s10  }
0x38: {  	s10 =	sld [smem:$0x3FBC]  }
0x39: {  	_ = 	snop;
	(pc) =	sbr.ind lr, $3  }
0x3a: {  	_ = 	snop  }
0x3b: {  	_ = 	snop  }
0x3c: {  	p2 =	seq.s32 s10, $0x1;
	s10 =	sld [smem:$0x3FBB]  }
0x3d: {  	_ =	shalt  }
0x3e: {  	_ =	shalt  }
0x3f: {  	_ =	shalt  }
0x40: {  	_ =	shalt  }
0x41: {  	_ =	shalt  }
0x42: {  	_ =	shalt  }
0x43: {  	_ =	shalt  }
0x44: {  	_ =	shalt  }
0x45: {  	_ =	shalt  }
0x46: {  	_ =	shalt  }
0x47: {  	_ =	shalt  }
0x48: {  	_ =	shalt  }
0x49: {  	_ =	shalt  }
0x4a: {  	_ =	shalt  }
0x4b: {  	_ =	shalt  }
0x4c: {  	_ =	shalt  }
0x4d: {  	_ =	shalt  }
0x4e: {  	_ =	shalt  }
0x4f: {  	_ =	shalt  }
0x50: {  	_ =	shalt  }
0x51: {  	_ =	shalt  }
0x52: {  	_ =	shalt  }
0x53: {  	_ =	shalt  }
0x54: {  	_ =	shalt  }
0x55: {  	_ =	shalt  }
0x56: {  	_ =	shalt  }
0x57: {  	_ =	shalt  }
0x58: {  	_ =	shalt  }
0x59: {  	_ =	shalt  }
0x5a: {  	_ =	shalt  }
0x5b: {  	_ =	shalt  }
0x5c: {  	_ =	shalt  }
0x5d: {  	_ =	shalt  }
0x5e: {  	_ =	shalt  }
0x5f: {  	_ =	shalt  }
0x60: {  	_ =	shalt  }
0x61: {  	_ =	shalt  }
0x62: {  	_ =	shalt  }
0x63: {  	_ =	shalt  }
0x64: {  	_ =	shalt  }
0x65: {  	_ =	shalt  }
0x66: {  	_ =	shalt  }
0x67: {  	_ =	shalt  }
0x68: {  	_ =	shalt  }
0x69: {  	_ =	shalt  }
0x6a: {  	_ =	shalt  }
0x6b: {  	_ =	shalt  }
0x6c: {  	_ =	shalt  }
0x6d: {  	_ =	shalt  }
0x6e: {  	_ =	shalt  }
0x6f: {  	_ =	shalt  }
0x70: {  	_ =	shalt  }
0x71: {  	_ =	shalt  }
0x72: {  	_ =	shalt  }
0x73: {  	_ =	shalt  }
0x74: {  	_ =	shalt  }
0x75: {  	_ =	shalt  }
0x76: {  	_ =	shalt  }
0x77: {  	_ =	shalt  }
0x78: {  	_ =	shalt  }
0x79: {  	_ =	shalt  }
0x7a: {  	_ =	shalt  }
0x7b: {  	_ =	shalt  }
0x7c: {  	_ =	shalt  }
0x7d: {  	_ =	shalt  }
0x7e: {  	_ =	shalt  }
0x7f: {  	_ =	shalt  }
0x80: {  	_ =	shalt  }
0x81: {  	_ =	shalt  }
0x82: {  	_ =	shalt  }
0x83: {  	_ =	shalt  }
0x84: {  	_ =	shalt  }
0x85: {  	_ =	shalt  }
0x86: {  	_ =	shalt  }
0x87: {  	_ =	shalt  }
.Lfunc_end0:
.L_simem_size_0:
called_computation.1_lowered:
.L_overlay_start_0:
0x88: {  	s2 =	sld [smem:$0x3FD9]  }
0x89: {  	s3 =	sld [smem:$0x3FFE];
	_ =	sdelay $0x1  }
0x8a: {  	s1 =	srdreg.scid  }
0x8b: {  	s0 =	sand.u32 $0x1, s1  }
0x8c: {  	s17 =	sshll.u32 s0, $0xA;
	s2 =	sadd.s32 s3, s2  }
0x8d: {  	s2 =	sadd.s32 s2, s17  }
0x8e: {  	[smem:$0x3FC7] =	sst s2  }
0x8f: {  	_ = 	snop  }
0x90: {  	s2 =	sld [smem:$0x3FD0];
	(tm) =	ssettm $0x1  }
0x91: {  	s18 =	sld [smem:$0x3FFB];
	_ =	sdelay $0x3  }
0x92: {  	_ =	strace s18  }
0x93: {  	s3 =	sld [smem:$0x3FFC];
	_ =	sdelay $0x3  }
0x94: {  	_ =	strace s3  }
0x95: {  	s3 =	sld [smem:$0x3FFD];
	_ =	sdelay $0x3  }
0x96: {  	_ =	strace s3  }
0x97: {  	_ =	strace $0x8FFFFFFF  }
0x98: {  	s19 =	sld [smem:$0x3FDB];
	_ =	sdelay $0x1  }
0x99: {  	s4 =	simm.s32 $_scs_section_size  }
0x9a: {  	s5 =	simm.s32 $_size__tile_overlayer_lowered;
	s6 =	simm.s32 $_tile_overlayer_lowered  }
0x9b: {  	s22 =	simm.s32 $0x1BFF;
	s21 =	sshll.u32 s6, $0x1;
	s3 =	sadd.s32 s4, s19  }
0x9c: {  	s7 =	simm.s32 $0x0;
	s20 =	sshll.u32 s5, $0x1;
	s5 =	sadd.s32 s21, s3  }
0x9d: {  	[timem:s7], [sflag:s22] =	dma.local [hbm:s5], s20  }
0x9e: {  	_ =	swait.ge [sflag:s22], s20  }
0x9f: {  	s4 =	ssub.s32 $0x0, s20;
	[sflag:s22] =	ssyncset.done $0x0  }
0xa0: {  	[sflag:s22] =	ssyncadd.s32 s4;
	_ =	sdelay $0x1  }
0xa1: {  	s23 =	simm.s32 $0x1B8B  }
0xa2: {  	_ =	swait.ge [sflag:s23], $0x1  }
0xa3: {  	[sflag:s23] =	ssyncset.done $0x0  }
0xa4: {  	s25 =	simm.s32 $0x1B8E;
	s24 =	sld [smem:$0x3FFE];
	[sflag:s23] =	ssyncadd.s32 $0xFFFFFFFF  }
0xa5: {  	s26 =	simm.s32 $execute0_lowered;
	[smem:$0x3FD2] =	sst s25  }
0xa6: {  	s5 =	sshll.u32 s26, $0x1;
	_ =	strace $0x80000046;
	[dreg:$0x1] =	wrdreg $0xFFFFFFFF  }
0xa7: {  	s28 =	simm.s32 $_size_execute0_lowered;
	s3 =	sadd.s32 s3, s5;
	[dreg:$0x0] =	wrdreg $0x0  }
0xa8: {  	s5 =	sshll.u32 s28, $0x1;
	[dreg:$0x2] =	wrdreg s3  }
0xa9: {  	[dreg:$0x3] =	wrdreg s5  }
0xaa: {  	[dreg:$0x4] =	wrdreg $0xC0  }
0xab: {  	_ =	task [dreg:s7], $0x5FFFF  }
0xac: {  	[dreg:$0x1] =	wrdreg $0xFFFFFFFF  }
0xad: {  	[dreg:$0x0] =	wrdreg $0x60  }
0xae: {  	[dreg:$0x2] =	wrdreg s2  }
0xaf: {  	[dreg:$0x3] =	wrdreg s24  }
0xb0: {  	[dreg:$0x4] =	wrdreg $0x9  }
0xb1: {  	_ =	task.clear_ibuf [dreg:s7], $0x5FFFF;
	_ =	strace $0x90000046  }
0xb2: {  	s29 =	simm.s32 $0x9;
	_ =	strace $0x80000048  }
0xb3: {  	_ =	swait.ge [sflag:s29], $0x1  }
0xb4: {  	[sflag:s29] =	ssyncadd.s32 $0xFFFFFFFF  }
0xb5: {  	_ =	strace $0x90000048  }
0xb6: {  	_ =	sfence  }
0xb7: {  	s30 =	sld [smem:$0x0];
	_ =	sdelay $0x2  }
0xb8: {  	s31 =	sshll.u32 s1, $0xD;
	s1 =	sshrl.u32 s1, $0x2  }
0xb9: {  	s3 =	sand.u32 $0x4000, s31;
	s1 =	sadd.s32 s1, s30  }
0xba: {  	s0 =	sor.u32 s3, s0;
	s1 =	sshll.u32 s1, $0x11  }
0xbb: {  	s0 =	sor.u32 s1, s0  }
0xbc: {  	s0 =	sadd.s32 $0x8F2B, s0  }
0xbd: {  	[sflag:s0] =	ssyncadd.remote.s32 $0x1  }
0xbe: {  	_ =	sfence.sel $0xFFFF  }
0xbf: {  	[dreg:$0x0] =	wrdreg $0xFFFFFFFF;
	(pc) =	sbr.abs _section_cstart, $3  }
0xc0: {  	[dreg:$0x1] =	wrdreg $0xFFFFFFFF  }
0xc1: {  	_ =	task.clear_ibuf [dreg:s7], $0x2FFFF;
	_ =	strace $0x9FFFFFFF  }
0xc2: {  	(tm) =	ssettm $0x7FFFFFFF  }
0xc3: {  	_ =	shalt  }
tec
execute0_lowered:
.L_overlay_start_1:
0x0: {  	(tag) =	ssettag $0x1  }
0x1: {  	s1 =	rddreg [dreg:$0x0]  }
0x2: {  	s5 =	rddreg [dreg:$0x1];
	s2 =	srdreg.scid  }
0x3: {  	s0 =	rddreg [dreg:$0x2];
	s3 =	simm.s32 $0x0;
	s10 =	simm.s32 $0x0  }
0x4: {  	s6 =	sand.u32 $0x1, s2;
	[smem:$0x7FF] =	sst s3;
	s2 =	stileid.u32  }
0x5: {  	s4 =	sadd.s32 $0xA00, s5;
	s5 =	sadd.s32 $0xC00, s5;
	s7 =	ssub.s32 $0x2, s6  }
0x6: {  	_ =	strace $0x80000047;
	s9 =	sshll.u32 s2, $0x1;
	s8 =	sshrl.u32 s7, $0x1  }
0x7: {  	s6 =	sor.u32 s6, s9;
	s9 =	simm.s32 $0x1;
	s7 =	ssub.s32 s7, s8  }
0x8: {  	s6 =	smul.u32 $0x78000, s6;
	s8 =	simm.s32 $0xA000;
	s7 =	smax.u32 s7, $0x1  }
.LBB2_1:
0x9: {  	[tilespmem:s8], [sflag:$0x1] =	stream.linear.gather [hbm4b:s4+s3], $0x80, $0x38;
	[tilespmem:$0xA080] =	vst v63  }
0xa: {  	_ =	swait.ge [sflag:s9], $0x80  }
0xb: {  	[sflag:s9] =	ssyncset.done $0x0  }
0xc: {  	s11 =	simm.s32 $0x0;
	[sflag:s9] =	ssyncadd.s32 $0xFFFFFF80  }
.LBB2_2:
0xd: {  	s12 =	smul.u32 $0xA000, s11;
	_ =	sdelay $0x1  }
0xe: {  	s12 =	sadd.s32 s6, s12  }
0xf: {  	s12 =	sshrl.u32 s12, $0x3  }
0x10: {  	s14 =	simm.s32 $0x0;
	s13 =	sadd.s32 s1, s12  }
0x11: {  	[tilespmem:s14], [sflag:$0x1] =	stream.linear.gather [hbm4b:s13+s14], $0xA000, $0x38;
	[tilespmem:$0xA080] =	vst v63  }
0x12: {  	_ =	swait.ge [sflag:s9], $0xA000  }
0x13: {  	[sflag:s9] =	ssyncset.done $0x0  }
0x14: {  	s13 =	simm.s32 $0x0;
	[sflag:s9] =	ssyncadd.s32 $0xFFFF6000  }
0x15: {  	s14 =	simm.s32 $0x140;
	v0 =	vld [tilespmem:s13+$0x0]  }
.LBB2_3:
0x16: {  	p0 =	sne.s32 s14, $0x27EC0;
	v1 =	vld [tilespmem:$0xA000];
	_ =	sdelay $0x4  }
0x17: {  	v0 =	vadd.f32 v1, v0;
	_ =	sdelay $0x1  }
0x18: {  	[tilespmem:s13+$0x0] =	vst v0;
	v0 =	vld [tilespmem:s13+$0x10]  }
0x19: {  	v1 =	vld [tilespmem:$0xA010];
	_ =	sdelay $0x4  }
0x1a: {  	v0 =	vadd.f32 v1, v0;
	_ =	sdelay $0x1  }
0x1b: {  	[tilespmem:s13+$0x10] =	vst v0;
	v0 =	vld [tilespmem:s13+$0x20]  }
0x1c: {  	v1 =	vld [tilespmem:$0xA020];
	_ =	sdelay $0x4  }
0x1d: {  	v0 =	vadd.f32 v1, v0;
	_ =	sdelay $0x1  }
0x1e: {  	[tilespmem:s13+$0x20] =	vst v0;
	v0 =	vld [tilespmem:s13+$0x30]  }
0x1f: {  	v1 =	vld [tilespmem:$0xA030];
	_ =	sdelay $0x4  }
0x20: {  	v0 =	vadd.f32 v1, v0;
	_ =	sdelay $0x1  }
0x21: {  	[tilespmem:s13+$0x30] =	vst v0;
	v0 =	vld [tilespmem:s13+$0x40]  }
0x22: {  	v1 =	vld [tilespmem:$0xA040];
	_ =	sdelay $0x2  }
.Ltmp0:
0x23: {  	(pc) =	sbr.rel @p0 .LBB2_3-.Ltmp0, $4  }
0x24: {  	_ = 	snop  }
0x25: {  	v1 =	vadd.f32 v1, v0  }
0x26: {  	s15 =	sshra.s32 s14, $0x2  }
0x27: {  	s14 =	sadd.s32 $0x140, s14;
	v0 =	vld [tilespmem:s15+$0x0];
	[tilespmem:s13+$0x40] =	vst v1;
	s13 =	smov.u32 s15  }
0x28: {  	v1 =	vld [tilespmem:$0xA000];
	_ =	sdelay $0x4  }
0x29: {  	v0 =	vadd.f32 v1, v0;
	_ =	sdelay $0x1  }
0x2a: {  	v56 =	vld [tilespmem:s13+$0x10];
	[tilespmem:s13+$0x0] =	vst v0  }
0x2b: {  	v57 =	vld [tilespmem:$0xA010];
	_ =	sdelay $0x4  }
0x2c: {  	v0 =	vadd.f32 v57, v56;
	_ =	sdelay $0x1  }
0x2d: {  	v58 =	vld [tilespmem:s13+$0x20];
	[tilespmem:s13+$0x10] =	vst v0  }
0x2e: {  	v59 =	vld [tilespmem:$0xA020];
	_ =	sdelay $0x4  }
0x2f: {  	v0 =	vadd.f32 v59, v58;
	_ =	sdelay $0x1  }
0x30: {  	v60 =	vld [tilespmem:s13+$0x30];
	[tilespmem:s13+$0x20] =	vst v0  }
0x31: {  	v61 =	vld [tilespmem:$0xA030];
	_ =	sdelay $0x4  }
0x32: {  	v0 =	vadd.f32 v61, v60;
	_ =	sdelay $0x1  }
0x33: {  	v62 =	vld [tilespmem:s13+$0x40];
	[tilespmem:s13+$0x30] =	vst v0  }
0x34: {  	v63 =	vld [tilespmem:$0xA040];
	_ =	sdelay $0x4  }
0x35: {  	s11 =	sadd.s32 $0x1, s11;
	v0 =	vadd.f32 v63, v62  }
0x36: {  	p0 =	sne.s32 s11, $0xC  }
.Ltmp1:
0x37: {  	s12 =	sadd.s32 s5, s12;
	[tilespmem:s13+$0x40] =	vst v0;
	(pc) =	sbr.rel @p0 .LBB2_2-.Ltmp1, $4  }
0x38: {  	[hbm4b:s12+s3] =	stream.linear.scatter [tilespmem:s3], [sflag:$0x1], $0xA000, $0x38;
	[tilespmem:$0xA080] =	vst v63  }
0x39: {  	_ =	swait.ge [sflag:s9], $0xA000  }
0x3a: {  	[sflag:s9] =	ssyncset.done $0x0  }
0x3b: {  	[sflag:s9] =	ssyncadd.s32 $0xFFFF6000  }
0x3c: {  	s10 =	sadd.s32 $0x1, s10  }
0x3d: {  	p0 =	sne.s32 s10, s7  }
.Ltmp2:
0x3e: {  	_ = 	snop;
	(pc) =	sbr.rel @p0 .LBB2_1-.Ltmp2, $1  }
0x3f: {  	_ =	sdelay $0x3  }
0x40: {  	_ =	sfence.sel $0x180000  }
0x41: {  	[bflag:$0x0] =	sbarrier.arrive $0xFFFF  }
0x42: {  	p0 =	sne.s32 s2, $0x0;
	_ =	strace $0x90000047  }
0x43: {  	s0 =	sadd.s32 @!p0 $0x100000, s0;
	[bflag:$0x2] =	sbarrier.arrive $0xFFFF  }
0x44: {  	[sflag:s0] =	ssyncadd.tile.s32 @!p0 $0x1;
	_ =	shalt  }
.Lfunc_end2:
_tile_overlayer_lowered:
.L_overlay_start_2:
0x45: {  	(tag) =	ssettag $0x2  }
0x46: {  	s0 =	rddreg [dreg:$0x0];
	s2 =	stileid.u32  }
0x47: {  	s1 =	rddreg [dreg:$0x1];
	p0 =	sne.s32 s2, $0x0  }
0x48: {  	s3 =	rddreg [dreg:$0x2];
	[bflag:$0x3] =	sbarrier.arrive $0xFFFF;
	s2 =	simm.s32 @!p0 $0x1C01  }
0x49: {  	[timem:s3], [sflag:s2] =	dma.local @!p0 [hbm:s0], s1  }
0x4a: {  	s0 =	simm.s32 @!p0 $0x1  }
0x4b: {  	_ =	swait.ge @!p0 [sflag:s0], s1  }
0x4c: {  	s1 =	ssub.s32 @!p0 $0x0, s1;
	[sflag:s0] =	ssyncset.done @!p0 $0x0  }
0x4d: {  	[sflag:s0] =	ssyncadd.s32 @!p0 s1  }
0x4e: {  	[bflag:$0x3] =	sbarrier.arrive $0xFFFF  }
0x4f: {  	_ =	shalt  }

// kernel: sparse-core-data-format-call.cloned.1.call-start
scs
called_computation_lowered:
.L_overlay_start_0:
0x0: {  	s2 =	sld [smem:$0x3FD9]  }
0x1: {  	s3 =	sld [smem:$0x3FFE];
	_ =	sdelay $0x1  }
0x2: {  	s1 =	srdreg.scid  }
0x3: {  	s0 =	sand.u32 $0x1, s1  }
0x4: {  	s18 =	sshll.u32 s0, $0xA;
	s2 =	sadd.s32 s3, s2  }
0x5: {  	s2 =	sadd.s32 s2, s18  }
0x6: {  	[smem:$0x3FC7] =	sst s2  }
0x7: {  	_ = 	snop  }
0x8: {  	s2 =	sld [smem:$0x3FD0];
	(tm) =	ssettm $0x1  }
0x9: {  	s19 =	sld [smem:$0x3FFB];
	_ =	sdelay $0x3  }
0xa: {  	_ =	strace s19  }
0xb: {  	s3 =	sld [smem:$0x3FFC];
	_ =	sdelay $0x3  }
0xc: {  	_ =	strace s3  }
0xd: {  	s3 =	sld [smem:$0x3FFD];
	_ =	sdelay $0x3  }
0xe: {  	_ =	strace s3  }
0xf: {  	_ =	strace $0x8FFFFFFF  }
0x10: {  	s20 =	sld [smem:$0x3FDB];
	_ =	sdelay $0x1  }
0x11: {  	s4 =	simm.s32 $_scs_section_size  }
0x12: {  	s5 =	simm.s32 $_size__tile_overlayer_lowered;
	s6 =	simm.s32 $_tile_overlayer_lowered  }
0x13: {  	s23 =	simm.s32 $0x1BFF;
	s22 =	sshll.u32 s6, $0x1;
	s3 =	sadd.s32 s4, s20  }
0x14: {  	s7 =	simm.s32 $0x0;
	s21 =	sshll.u32 s5, $0x1;
	s5 =	sadd.s32 s22, s3  }
0x15: {  	[timem:s7], [sflag:s23] =	dma.local [hbm:s5], s21  }
0x16: {  	_ =	swait.ge [sflag:s23], s21  }
0x17: {  	s4 =	ssub.s32 $0x0, s21;
	[sflag:s23] =	ssyncset.done $0x0  }
0x18: {  	[sflag:s23] =	ssyncadd.s32 s4;
	_ =	sdelay $0x1  }
0x19: {  	s24 =	simm.s32 $0x1B8B  }
0x1a: {  	_ =	swait.ge [sflag:s24], $0x1  }
0x1b: {  	[sflag:s24] =	ssyncset.done $0x0  }
0x1c: {  	s26 =	simm.s32 $0x1B8E;
	s25 =	sld [smem:$0x3FFE];
	[sflag:s24] =	ssyncadd.s32 $0xFFFFFFFF  }
0x1d: {  	s27 =	simm.s32 $execute0_lowered;
	[smem:$0x3FD2] =	sst s26  }
0x1e: {  	s5 =	sshll.u32 s27, $0x1;
	_ =	strace $0x80000049;
	[dreg:$0x1] =	wrdreg $0xFFFFFFFF  }
0x1f: {  	s28 =	simm.s32 $_size_execute0_lowered;
	s3 =	sadd.s32 s3, s5;
	[dreg:$0x0] =	wrdreg $0x0  }
0x20: {  	s5 =	sshll.u32 s28, $0x1;
	[dreg:$0x2] =	wrdreg s3  }
0x21: {  	[dreg:$0x3] =	wrdreg s5  }
0x22: {  	[dreg:$0x4] =	wrdreg $0xC0  }
0x23: {  	_ =	task [dreg:s7], $0x5FFFF  }
0x24: {  	[dreg:$0x1] =	wrdreg $0xFFFFFFFF  }
0x25: {  	[dreg:$0x0] =	wrdreg $0x60  }
0x26: {  	[dreg:$0x2] =	wrdreg s25  }
0x27: {  	[dreg:$0x3] =	wrdreg s2  }
0x28: {  	[dreg:$0x4] =	wrdreg $0x9  }
0x29: {  	_ =	task.clear_ibuf [dreg:s7], $0x5FFFF;
	_ =	strace $0x90000049  }
0x2a: {  	s29 =	simm.s32 $0x9;
	_ =	strace $0x8000004B  }
0x2b: {  	_ =	swait.ge [sflag:s29], $0x1  }
0x2c: {  	[sflag:s29] =	ssyncadd.s32 $0xFFFFFFFF  }
0x2d: {  	_ =	strace $0x9000004B  }
0x2e: {  	_ =	sfence  }
0x2f: {  	s30 =	sld [smem:$0x0];
	_ =	sdelay $0x2  }
0x30: {  	s31 =	sshll.u32 s1, $0xD;
	s1 =	sshrl.u32 s1, $0x2  }
0x31: {  	s3 =	sand.u32 $0x4000, s31;
	s1 =	sadd.s32 s1, s30  }
0x32: {  	s0 =	sor.u32 s3, s0;
	s1 =	sshll.u32 s1, $0x11  }
0x33: {  	s0 =	sor.u32 s1, s0  }
0x34: {  	s0 =	sadd.s32 $0x8F2B, s0  }
0x35: {  	[sflag:s0] =	ssyncadd.remote.s32 $0x1  }
0x36: {  	_ =	sfence.sel $0xFFFF  }
0x37: {  	[dreg:$0x0] =	wrdreg $0xFFFFFFFF;
	(pc) =	sbr.abs _section_cstart, $3  }
0x38: {  	[dreg:$0x1] =	wrdreg $0xFFFFFFFF  }
0x39: {  	_ =	task.clear_ibuf [dreg:s7], $0x2FFFF;
	_ =	strace $0x9FFFFFFF  }
0x3a: {  	(tm) =	ssettm $0x7FFFFFFF  }
0x3b: {  	_ =	shalt  }
tec
execute0_lowered:
.L_overlay_start_1:
0x0: {  	(tag) =	ssettag $0x1  }
0x1: {  	s0 =	srdreg.scid  }
0x2: {  	s5 =	rddreg [dreg:$0x0];
	s1 =	sshll.u32 s0, $0x4  }
0x3: {  	s2 =	rddreg [dreg:$0x1];
	s0 =	stileid.u32;
	s1 =	sand.u32 $0x10, s1  }
0x4: {  	s4 =	simm.s32 $0x1;
	s8 =	simm.s32 $0x2;
	s1 =	sor.u32 s0, s1  }
0x5: {  	s12 =	simm.s32 $0x0;
	s9 =	simm.s32 $0x0;
	s3 =	sshll.u32 s1, $0x7  }
0x6: {  	s11 =	simm.s32 $0x0;
	s5 =	sadd.s32 $0x1E0C00, s5;
	s6 =	ssub.s32 $0x100000, s3  }
.Ltmp0:
0x7: {  	s1 =	rddreg [dreg:$0x2];
	s7 =	sand.u32 $0xF80, s6;
	(pc) =	sbr.rel .LBB1_1-.Ltmp0, $4  }
0x8: {  	_ =	strace $0x8000004A;
	p0 =	sne.s32 s7, $0x0;
	s7 =	simm.s32 $0x1  }
0x9: {  	[sflag:s4] =	ssyncpa.u1 $0x0;
	s6 =	sshrl.u32 s6, $0xC;
	s7 =	simm.s32 @!p0 $0x0  }
0xa: {  	s10 =	smov.u32 s3;
	[sflag:s8] =	ssyncpa.u1 $0x0;
	s6 =	sadd.s32 s7, s6  }
0xb: {  	s8 =	simm.s32 $0x400000;
	p0 =	por $0x0, $0x0;
	s7 =	sadd.s32 $0x1, s6  }
.LBB1_7:
0xc: {  	p1 =	slt.u32 s11, $0x2  }
0xd: {  	p2 =	sgt.s32 @!p1 s12, $0xFFF80  }
0xe: {  	s13 =	smov.u32 s12;
	s14 =	sshra.s32 @!p1 s12, $0x1F;
	p2 =	por !p2, p1  }
0xf: {  	s12 =	sand.u32 @!p1 s14, s12;
	s13 =	simm.s32 @p2 $0xFFF80  }
0x10: {  	s12 =	ssub.s32 @!p1 s13, s12  }
0x11: {  	s13 =	ssub.s32 @!p1 $0x100000, s12  }
0x12: {  	s12 =	sadd.s32 @!p1 $0xFFF00080, s12;
	s13 =	smul.u32 @!p1 $0x50, s13  }
0x13: {  	p2 =	sgt.s32 @!p1 s12, $0x7F  }
0x14: {  	s14 =	sadd.s32 $0x1000, s10;
	p2 =	por !p2, p1;
	s12 =	sshrl.u32 @!p1 s13, $0x2  }
0x15: {  	s12 =	simm.s32 @!p2 $0x0;
	p2 =	sgt.s32 s14, $0xFFFFF  }
0x16: {  	s14 =	smov.u32 @p2 s3;
	p2 =	sne.s32 s11, s7  }
.Ltmp1:
0x17: {  	_ = 	snop;
	(pc) =	sbr.rel @!p2 .LBB1_8-.Ltmp1, $4  }
0x18: {  	s13 =	simm.s32 @!p1 $0x2  }
0x19: {  	p0 =	por !p0, !p0;
	_ =	swait.ge @!p1 [sflag:s13], s12;
	s15 =	ssub.s32 @!p1 $0x0, s12  }
0x1a: {  	s12 =	smov.u32 s9;
	s11 =	sadd.s32 $0x1, s11;
	[sflag:s13] =	ssyncset.done @!p1 $0x0  }
0x1b: {  	s9 =	smov.u32 s10;
	s10 =	smov.u32 s14;
	[sflag:s13] =	ssyncadd.s32 @!p1 s15  }
.LBB1_1:
0x1c: {  	p1 =	sge.u32 s11, s6  }
0x1d: {  	s31 =	sadd.s32 $0xFFFFFFFF, s11;
	s13 =	sxor.u32 @!p1 $0xFFFFFFFF, s11  }
0x1e: {  	s14 =	sshll.u32 @!p1 s10, $0x6;
	s15 =	simm.s32 @!p1 $0x20;
	s13 =	sshll.u32 @!p1 s13, $0xE  }
0x1f: {  	s16 =	simm.s32 @!p1 $0x80;
	s14 =	sadd.s32 @!p1 s5, s14;
	s13 =	sand.u32 @!p1 $0x4000, s13  }
0x20: {  	[tilespmem:s13], [sflag:$0x1] =	stream.strided.gather @!p1 [hbm4b:s14+s15], $0x4000, s16, s15, $0x38;
	[tilespmem:$0x10100] =	vst v63  }
0x21: {  	p1 =	sge.u32 s31, s6  }
.Ltmp2:
0x22: {  	_ = 	snop;
	(pc) =	sbr.rel @p1 .LBB1_7-.Ltmp2, $1  }
0x23: {  	_ =	sdelay $0x3  }
0x24: {  	s13 =	simm.s32 $0x1;
	s15 =	sand.u32 $0x1, s11  }
0x25: {  	s13 =	simm.s32 @!p0 $0x0;
	s16 =	smul.u32 $0x10200, s15  }
0x26: {  	_ =	swait.ge [sflag:s4], $0x4000;
	s14 =	smul.u32 $0x10200, s13  }
0x27: {  	[sflag:s4] =	ssyncset.done $0x0;
	s15 =	sshll.u32 s13, $0xE  }
0x28: {  	[sflag:s4] =	ssyncadd.s32 $0xFFFFC000;
	s31 =	sshrl.u32 s16, $0x2;
	s14 =	sshrl.u32 s14, $0x2  }
0x29: {  	s16 =	simm.s32 $0x0;
	s13 =	sor.u32 $0x8000, s31;
	s14 =	sadd.s32 $0xA040, s14  }
.LBB1_3:
0x2a: {  	v0 =	vmov s15;
	_ =	sdelay $0x3  }
0x2b: {  	s17 =	simm.s32 $0x0  }
0x2c: {  	v1 =	vld.idx.msk [tilespmem:v0+s17+$0x10 ss:$0x1], $0xffff  }
0x2d: {  	v2 =	vld.idx.msk [tilespmem:v0+s17+$0x0 ss:$0x1], $0xffff;
	_ =	sdelay $0x1  }
0x2e: {  	s18 =	simm.s32 $0x80;
	s17 =	smov.u32 s14  }
.LBB1_4:
0x2f: {  	s19 =	sshra.s32 s18, $0x2;
	p1 =	sne.s32 s18, $0x180;
	s18 =	sadd.s32 $0x80, s18  }
.Ltmp3:
0x30: {  	[tilespmem:s17+$0x0 ss:$0x204] =	vst.msk $0xffff, v1;
	v1 =	vld.idx.msk [tilespmem:v0+s19+$0x10 ss:$0x1], $0xffff;
	(pc) =	sbr.rel @p1 .LBB1_4-.Ltmp3, $2  }
0x31: {  	[tilespmem:s17+$0xFFFFDFC0 ss:$0x204] =	vst.msk $0xffff, v2;
	v2 =	vld.idx.msk [tilespmem:v0+s19+$0x0 ss:$0x1], $0xffff;
	_ =	sdelay $0x2  }
0x32: {  	s17 =	sadd.s32 $0x81, s17  }
0x33: {  	s16 =	sadd.s32 $0x1, s16  }
0x34: {  	p1 =	sne.s32 s16, $0x80  }
.Ltmp4:
0x35: {  	_ = 	snop;
	(pc) =	sbr.rel @p1 .LBB1_3-.Ltmp4, $3  }
0x36: {  	_ =	sdelay $0x1  }
0x37: {  	[tilespmem:s17+$0x0 ss:$0x204] =	vst.msk $0xffff, v1  }
0x38: {  	s14 =	sadd.s32 $0x1, s14;
	s15 =	sadd.s32 $0x80, s15;
	[tilespmem:s17+$0xFFFFDFC0 ss:$0x204] =	vst.msk $0xffff, v2  }
0x39: {  	p1 =	sgt.s32 s9, $0xFFF80;
	s14 =	smov.u32 s9;
	s15 =	sshra.s32 s9, $0x1F  }
0x3a: {  	s14 =	simm.s32 @!p1 $0xFFF80;
	s15 =	sand.u32 s15, s9  }
0x3b: {  	s14 =	ssub.s32 s14, s15  }
0x3c: {  	s17 =	ssub.s32 $0x100000, s14  }
0x3d: {  	s29 =	sand.u32 $0x78, s9;
	s16 =	sshll.u32 s9, $0x2;
	s17 =	smul.u32 $0x50, s17  }
.Ltmp5:
0x3e: {  	s31 =	sand.u32 $0x7, s9;
	s16 =	sand.u32 $0x3FFE00, s16;
	(pc) =	sbr.rel .LBB1_7-.Ltmp5, $4  }
0x3f: {  	s30 =	sor.u32 s29, s16;
	s15 =	sshll.u32 s31, $0x12;
	s14 =	sadd.s32 $0xFFF00080, s14  }
0x40: {  	p1 =	sgt.s32 s14, $0x7F;
	s14 =	sshrl.u32 s30, $0x3;
	s16 =	sshrl.u32 s17, $0x2  }
0x41: {  	s15 =	sor.u32 $0x200, s15;
	s14 =	sadd.s32 s2, s14;
	s16 =	simm.s32 @p1 $0x0  }
0x42: {  	[hbm4b:s14+s15] =	stream.strided.scatter [tilespmem:s13], [sflag:$0x2], s16, s8, s15, $0x20;
	[tilespmem:$0x10100] =	vst v63  }
.LBB1_8:
0x43: {  	_ =	sfence.sel $0x180000  }
0x44: {  	s2 =	simm.s32 $0x1;
	[bflag:$0x0] =	sbarrier.arrive $0xFFFF  }
0x45: {  	s31 =	simm.s32 $0x2;
	[sflag:s2] =	ssyncpa.u1 $0x1  }
0x46: {  	[sflag:s31] =	ssyncpa.u1 $0x1  }
0x47: {  	p0 =	sne.s32 s0, $0x0;
	_ =	strace $0x9000004A  }
0x48: {  	s0 =	sadd.s32 @!p0 $0x100000, s1;
	[bflag:$0x2] =	sbarrier.arrive $0xFFFF  }
0x49: {  	[sflag:s0] =	ssyncadd.tile.s32 @!p0 $0x1;
	_ =	shalt  }
.Lfunc_end1:
_tile_overlayer_lowered:
.L_overlay_start_2:
0x4a: {  	(tag) =	ssettag $0x2  }
0x4b: {  	s0 =	rddreg [dreg:$0x0];
	s2 =	stileid.u32  }
0x4c: {  	s1 =	rddreg [dreg:$0x1];
	p0 =	sne.s32 s2, $0x0  }
0x4d: {  	s3 =	rddreg [dreg:$0x2];
	[bflag:$0x3] =	sbarrier.arrive $0xFFFF;
	s2 =	simm.s32 @!p0 $0x1C01  }
0x4e: {  	[timem:s3], [sflag:s2] =	dma.local @!p0 [hbm:s0], s1  }
0x4f: {  	s0 =	simm.s32 @!p0 $0x1  }
0x50: {  	_ =	swait.ge @!p0 [sflag:s0], s1  }
0x51: {  	s1 =	ssub.s32 @!p0 $0x0, s1;
	[sflag:s0] =	ssyncset.done @!p0 $0x0  }
0x52: {  	[sflag:s0] =	ssyncadd.s32 @!p0 s1  }
0x53: {  	[bflag:$0x3] =	sbarrier.arrive $0xFFFF  }
0x54: {  	_ =	shalt  }

</sc_bundles>
